<compile_context>
chip_gen: v7x
topology: tpu7x:2x2x1
jax: 0.10.2.dev20260603
libtpu: 0.0.44.dev20260713+nightly
codegen_flags: <defaults>
</compile_context>

<pallas_src>
import functools

import jax
import jax.numpy as jnp
from jax import lax
from jax.experimental import pallas as pl
from jax.experimental.pallas import tpu as pltpu
from jax.experimental.pallas import tpu_sc as plsc

NUM_T1 = 6
NUM_T2 = 3
NUM_COMBO = NUM_T1 * NUM_T2
D = 128
E = 320000

NC = 2
NS = 16
NW = NC * NS
EPW = E // NW
BUFE = 400
NG16 = BUFE // 16
NGROUP = EPW // BUFE


def _combo_body(t1_ref, t2_ref, out_ref):
    r = lax.broadcasted_iota(jnp.int32, (NUM_COMBO, D), 0)
    a = r // NUM_T2
    b = r - a * NUM_T2
    acc = jnp.zeros((NUM_COMBO, D), jnp.float32)
    for i in range(NUM_T1):
        acc = jnp.where(a == i, t1_ref[i, :][None, :], acc)
    for j in range(NUM_T2):
        acc = acc + jnp.where(b == j, t2_ref[j, :][None, :], 0.0)
    out_ref[...] = acc


_combo_tc = pl.pallas_call(
    _combo_body,
    out_shape=jax.ShapeDtypeStruct((NUM_COMBO, D), jnp.float32),
)


def _sc_body(combo_hbm, attr_hbm, out_hbm, attr_v, buf_v, combo_sh,
             gsem, wsem0, wsem1):
    sid = lax.axis_index("s")
    wid = sid * NC + lax.axis_index("c")
    base = wid * EPW

    @pl.when(sid == 0)
    def _():
        pltpu.sync_copy(combo_hbm, combo_sh)

    pltpu.sync_copy(attr_hbm.at[pl.ds(base, EPW)], attr_v.at[pl.ds(0, EPW)])
    pltpu.sync_copy(attr_hbm.at[pl.ds(E + base, EPW)],
                    attr_v.at[pl.ds(EPW, EPW)])
    plsc.subcore_barrier()

    lanes = lax.iota(jnp.int32, 16)

    def group(g, carry):
        p = lax.rem(g, 2)

        @pl.when(jnp.logical_and(g >= 2, p == 0))
        def _():
            pltpu.make_async_copy(
                buf_v.at[0], out_hbm.at[pl.ds(base, BUFE), :], wsem0).wait()

        @pl.when(jnp.logical_and(g >= 2, p == 1))
        def _():
            pltpu.make_async_copy(
                buf_v.at[1], out_hbm.at[pl.ds(base, BUFE), :], wsem1).wait()

        def fire(k, carry2):
            le = g * BUFE + k * 16 + lanes
            a = plsc.load_gather(attr_v, [le])
            b = plsc.load_gather(attr_v, [le + EPW])
            idx16 = a * NUM_T2 + b
            pltpu.async_copy(
                combo_sh.at[idx16],
                buf_v.at[p, pl.ds(k * 16, 16), :], gsem)
            return carry2

        lax.fori_loop(0, NG16, fire, 0)

        def drain(k, carry2):
            pltpu.make_async_copy(
                combo_sh.at[lanes],
                buf_v.at[p, pl.ds(0, 16), :], gsem).wait()
            return carry2

        lax.fori_loop(0, NG16, drain, 0)

        @pl.when(p == 0)
        def _():
            pltpu.async_copy(
                buf_v.at[0],
                out_hbm.at[pl.ds(base + g * BUFE, BUFE), :], wsem0)

        @pl.when(p == 1)
        def _():
            pltpu.async_copy(
                buf_v.at[1],
                out_hbm.at[pl.ds(base + g * BUFE, BUFE), :], wsem1)

        return carry

    lax.fori_loop(0, NGROUP, group, 0)

    pltpu.make_async_copy(
        buf_v.at[0], out_hbm.at[pl.ds(base, BUFE), :],
        wsem1 if (NGROUP - 2) % 2 else wsem0).wait()
    pltpu.make_async_copy(
        buf_v.at[0], out_hbm.at[pl.ds(base, BUFE), :],
        wsem0 if (NGROUP - 2) % 2 else wsem1).wait()


_sc_gather = functools.partial(
    pl.kernel,
    out_type=jax.ShapeDtypeStruct((E, D), jnp.float32),
    mesh=plsc.VectorSubcoreMesh(core_axis_name="c", subcore_axis_name="s"),
    compiler_params=pltpu.CompilerParams(needs_layout_passes=False),
    scratch_types=[
        pltpu.VMEM((2 * EPW,), jnp.int32),
        pltpu.VMEM((2, BUFE, D), jnp.float32),
        pltpu.VMEM_SHARED((NUM_COMBO, D), jnp.float32),
        pltpu.SemaphoreType.DMA,
        pltpu.SemaphoreType.DMA,
        pltpu.SemaphoreType.DMA,
    ],
)(_sc_body)


@jax.jit
def kernel(edge_attr, table1, table2):
    combo = _combo_tc(table1, table2)
    return _sc_gather(combo, jnp.ravel(edge_attr.T))

# --- scband reference (transcript-rebuilt; emitter-appended) ---
"""Pipeline reference for scband-embed-11991548690647 (READ-ONLY COPY).

The authoritative reference and input builder live on the scoring server;
editing this copy changes nothing except your own understanding.
"""

import jax, jax.numpy as jnp
import numpy as np

NUM_BOND_TYPE = 6
NUM_BOND_DIRECTION = 3
EMB_DIM = 128
N_EDGES = 320000


def _xavier_uniform(key, shape):
    fan_in, fan_out = shape[0], shape[1]
    limit = np.sqrt(6.0 / (fan_in + fan_out))
    return jax.random.uniform(key, shape, dtype=jnp.float32, minval=-limit, maxval=limit)


def setup_inputs(seed: int = 0) -> dict:
    key = jax.random.key(seed)
    k1, k2, k3 = jax.random.split(key, 3)
    edge_attr = jax.random.randint(k1, (N_EDGES, 2), 0, 3, dtype=jnp.int64 if jax.config.jax_enable_x64 else jnp.int32).astype(jnp.int32)
    table1 = _xavier_uniform(k2, (NUM_BOND_TYPE, EMB_DIM))
    table2 = _xavier_uniform(k3, (NUM_BOND_DIRECTION, EMB_DIM))
    return {"edge_attr": edge_attr, "table1": table1, "table2": table2}


def reference(edge_attr, table1, table2):
    # edge_embedding1(edge_attr[:, 0]) + edge_embedding2(edge_attr[:, 1])
    emb1 = jnp.take(table1, edge_attr[:, 0], axis=0)
    emb2 = jnp.take(table2, edge_attr[:, 1], axis=0)
    return emb1 + emb2

if __name__ == "__main__":
    import jax
    _d = setup_inputs()
    print(jax.jit(kernel)(*tuple(_d.values())))

</pallas_src>

<mosaic_0001>
#map = affine_map<(d0, d1) -> (0, 0)>
#map1 = affine_map<(d0, d1) -> (0)>
module attributes {stable_mosaic.version = 14 : i64} {
  func.func @_sc_body(%arg0: i32, %arg1: i32, %arg2: memref<18x128xf32, #tpu.memory_space<hbm>>, %arg3: memref<640000xi32, #tpu.memory_space<hbm>>, %arg4: memref<320000x128xf32, #tpu.memory_space<hbm>>, %arg5: memref<20000xi32, #tpu.memory_space<vmem>>, %arg6: memref<2x400x128xf32, #tpu.memory_space<vmem>>, %arg7: memref<18x128xf32, #tpu.memory_space<vmem_shared>>, %arg8: memref<!tpu.dma_semaphore, #tpu.memory_space<semaphore_mem>>, %arg9: memref<!tpu.dma_semaphore, #tpu.memory_space<semaphore_mem>>, %arg10: memref<!tpu.dma_semaphore, #tpu.memory_space<semaphore_mem>>) attributes {dimension_semantics = [#tpu.dimension_semantics<core_parallel>, #tpu.dimension_semantics<subcore_parallel>], iteration_bounds = array<i64: 2, 16>, scalar_prefetch = 0 : i64, scratch_operands = 6 : i64, tpu.core_type = #tpu.core_type<sc_vector_subcore>, window_params = [{transform_indices = #map}, {transform_indices = #map1}, {transform_indices = #map}]} {
    %mul3A = arith.constant 2 : i32
    %mul3A_0 = arith.muli %arg1, %mul3A : i32
    %add3A = arith.addi %mul3A_0, %arg0 : i32
    %mul3A_1 = arith.constant 10000 : i32
    %mul3A_2 = arith.muli %add3A, %mul3A_1 : i32
    %eq3A = arith.constant 0 : i32
    %eq3A_3 = arith.cmpi eq, %arg1, %eq3A : i32
    %convert_element_type3A = arith.extui %eq3A_3 : i1 to i32
    %cond3A = arith.constant 0 : i32
    %cond3A_4 = arith.cmpi ne, %convert_element_type3A, %cond3A : i32
    scf.if %cond3A_4 {
      "tpu.region"() ({
        %run_scoped3A = tpu.sem_alloc : memref<!tpu.dma_semaphore, #tpu.memory_space<semaphore_mem>>
        tpu.enqueue_dma source(%arg2 : memref<18x128xf32, #tpu.memory_space<hbm>>) target(%arg7 : memref<18x128xf32, #tpu.memory_space<vmem_shared>>) target_semaphore(%run_scoped3A : memref<!tpu.dma_semaphore, #tpu.memory_space<semaphore_mem>>)
        tpu.wait_dma2 semaphore(%run_scoped3A : memref<!tpu.dma_semaphore, #tpu.memory_space<semaphore_mem>>) src(%arg2 : memref<18x128xf32, #tpu.memory_space<hbm>>) dst(%arg7 : memref<18x128xf32, #tpu.memory_space<vmem_shared>>)
        tpu.yield
      }) : () -> ()
    } else {
    }
    "tpu.region"() ({
      %run_scoped3A = tpu.sem_alloc : memref<!tpu.dma_semaphore, #tpu.memory_space<semaphore_mem>>
      %dma_start3A = arith.constant 0 : i32
      %dma_start3A_37 = tpu.memref_slice %arg5[%dma_start3A] : memref<20000xi32, #tpu.memory_space<vmem>> -> memref<10000xi32, #tpu.memory_space<vmem>>
      %dma_start3A_38 = tpu.memref_slice %arg3[%mul3A_2] : memref<640000xi32, #tpu.memory_space<hbm>> -> memref<10000xi32, #tpu.memory_space<hbm>>
      %dma_start3A_39 = arith.constant 0 : i32
      %dma_start3A_40 = tpu.memref_slice %arg5[%dma_start3A_39] : memref<20000xi32, #tpu.memory_space<vmem>> -> memref<10000xi32, #tpu.memory_space<vmem>>
      %dma_start3A_41 = tpu.memref_slice %arg3[%mul3A_2] : memref<640000xi32, #tpu.memory_space<hbm>> -> memref<10000xi32, #tpu.memory_space<hbm>>
      tpu.enqueue_dma source(%dma_start3A_41 : memref<10000xi32, #tpu.memory_space<hbm>>) target(%dma_start3A_40 : memref<10000xi32, #tpu.memory_space<vmem>>) target_semaphore(%run_scoped3A : memref<!tpu.dma_semaphore, #tpu.memory_space<semaphore_mem>>)
      %dma_wait3A_42 = arith.constant 0 : i32
      %dma_wait3A_43 = tpu.memref_slice %arg5[%dma_wait3A_42] : memref<20000xi32, #tpu.memory_space<vmem>> -> memref<10000xi32, #tpu.memory_space<vmem>>
      %dma_wait3A_44 = tpu.memref_slice %arg3[%mul3A_2] : memref<640000xi32, #tpu.memory_space<hbm>> -> memref<10000xi32, #tpu.memory_space<hbm>>
      %dma_wait3A_45 = arith.constant 0 : i32
      %dma_wait3A_46 = tpu.memref_slice %arg5[%dma_wait3A_45] : memref<20000xi32, #tpu.memory_space<vmem>> -> memref<10000xi32, #tpu.memory_space<vmem>>
      %dma_wait3A_47 = tpu.memref_slice %arg3[%mul3A_2] : memref<640000xi32, #tpu.memory_space<hbm>> -> memref<10000xi32, #tpu.memory_space<hbm>>
      tpu.wait_dma2 semaphore(%run_scoped3A : memref<!tpu.dma_semaphore, #tpu.memory_space<semaphore_mem>>) src(%dma_wait3A_47 : memref<10000xi32, #tpu.memory_space<hbm>>) dst(%dma_wait3A_46 : memref<10000xi32, #tpu.memory_space<vmem>>)
      tpu.yield
    }) : () -> ()
    %add3A_5 = arith.constant 320000 : i32
    %add3A_6 = arith.addi %add3A_5, %mul3A_2 : i32
    "tpu.region"() ({
      %run_scoped3A = tpu.sem_alloc : memref<!tpu.dma_semaphore, #tpu.memory_space<semaphore_mem>>
      %dma_start3A = arith.constant 10000 : i32
      %dma_start3A_37 = tpu.memref_slice %arg5[%dma_start3A] : memref<20000xi32, #tpu.memory_space<vmem>> -> memref<10000xi32, #tpu.memory_space<vmem>>
      %dma_start3A_38 = tpu.memref_slice %arg3[%add3A_6] : memref<640000xi32, #tpu.memory_space<hbm>> -> memref<10000xi32, #tpu.memory_space<hbm>>
      %dma_start3A_39 = arith.constant 10000 : i32
      %dma_start3A_40 = tpu.memref_slice %arg5[%dma_start3A_39] : memref<20000xi32, #tpu.memory_space<vmem>> -> memref<10000xi32, #tpu.memory_space<vmem>>
      %dma_start3A_41 = tpu.memref_slice %arg3[%add3A_6] : memref<640000xi32, #tpu.memory_space<hbm>> -> memref<10000xi32, #tpu.memory_space<hbm>>
      tpu.enqueue_dma source(%dma_start3A_41 : memref<10000xi32, #tpu.memory_space<hbm>>) target(%dma_start3A_40 : memref<10000xi32, #tpu.memory_space<vmem>>) target_semaphore(%run_scoped3A : memref<!tpu.dma_semaphore, #tpu.memory_space<semaphore_mem>>)
      %dma_wait3A_42 = arith.constant 10000 : i32
      %dma_wait3A_43 = tpu.memref_slice %arg5[%dma_wait3A_42] : memref<20000xi32, #tpu.memory_space<vmem>> -> memref<10000xi32, #tpu.memory_space<vmem>>
      %dma_wait3A_44 = tpu.memref_slice %arg3[%add3A_6] : memref<640000xi32, #tpu.memory_space<hbm>> -> memref<10000xi32, #tpu.memory_space<hbm>>
      %dma_wait3A_45 = arith.constant 10000 : i32
      %dma_wait3A_46 = tpu.memref_slice %arg5[%dma_wait3A_45] : memref<20000xi32, #tpu.memory_space<vmem>> -> memref<10000xi32, #tpu.memory_space<vmem>>
      %dma_wait3A_47 = tpu.memref_slice %arg3[%add3A_6] : memref<640000xi32, #tpu.memory_space<hbm>> -> memref<10000xi32, #tpu.memory_space<hbm>>
      tpu.wait_dma2 semaphore(%run_scoped3A : memref<!tpu.dma_semaphore, #tpu.memory_space<semaphore_mem>>) src(%dma_wait3A_47 : memref<10000xi32, #tpu.memory_space<hbm>>) dst(%dma_wait3A_46 : memref<10000xi32, #tpu.memory_space<vmem>>)
      tpu.yield
    }) : () -> ()
    %barrier3A = arith.constant 0 : index
    tpu.barrier barrier_id(%barrier3A)
    %iota3A = tpu.iota {dimensions = array<i32: 0>} : vector<16xi32>
    %scan3A = arith.constant 0 : i32
    %scan3A_7 = arith.constant 0 : i32
    %scan3A_8 = arith.constant 25 : i32
    %scan3A_9 = arith.addi %scan3A_7, %scan3A_8 : i32
    %scan3A_10 = arith.constant 1 : i32
    scf.for %scan3A_37 = %scan3A_7 to %scan3A_9 step %scan3A_10  : i32 {
      %rem3A = arith.constant 2 : i32
      %rem3A_38 = arith.remsi %scan3A_37, %rem3A : i32
      %ge3A = arith.constant 2 : i32
      %ge3A_39 = arith.cmpi sge, %scan3A_37, %ge3A : i32
      %eq3A_40 = arith.constant 0 : i32
      %eq3A_41 = arith.cmpi eq, %rem3A_38, %eq3A_40 : i32
      %and3A = arith.andi %ge3A_39, %eq3A_41 : i1
      %convert_element_type3A_42 = arith.extui %and3A : i1 to i32
      %cond3A_43 = arith.constant 0 : i32
      %cond3A_44 = arith.cmpi ne, %convert_element_type3A_42, %cond3A_43 : i32
      scf.if %cond3A_44 {
        %dma_wait3A_75 = arith.constant 0 : i32
        %dma_wait3A_76 = arith.constant 0 : i32
        %dma_wait3A_77 = arith.constant 0 : i32
        %dma_wait3A_78 = tpu.memref_slice %arg6[%dma_wait3A_75, %dma_wait3A_76, %dma_wait3A_77] : memref<2x400x128xf32, #tpu.memory_space<vmem>> -> memref<1x400x128xf32, #tpu.memory_space<vmem>>
        %dma_wait3A_79 = tpu.memref_squeeze %dma_wait3A_78 : memref<1x400x128xf32, #tpu.memory_space<vmem>> -> memref<400x128xf32, #tpu.memory_space<vmem>>
        %dma_wait3A_80 = arith.constant 0 : i32
        %dma_wait3A_81 = tpu.memref_slice %arg4[%mul3A_2, %dma_wait3A_80] : memref<320000x128xf32, #tpu.memory_space<hbm>> -> memref<400x128xf32, #tpu.memory_space<hbm>>
        %dma_wait3A_82 = arith.constant 0 : i32
        %dma_wait3A_83 = tpu.memref_slice %arg4[%mul3A_2, %dma_wait3A_82] : memref<320000x128xf32, #tpu.memory_space<hbm>> -> memref<400x128xf32, #tpu.memory_space<hbm>>
        %dma_wait3A_84 = arith.constant 0 : i32
        %dma_wait3A_85 = arith.constant 0 : i32
        %dma_wait3A_86 = tpu.memref_slice %arg6[%dma_wait3A_75, %dma_wait3A_84, %dma_wait3A_85] : memref<2x400x128xf32, #tpu.memory_space<vmem>> -> memref<1x400x128xf32, #tpu.memory_space<vmem>>
        %dma_wait3A_87 = tpu.memref_squeeze %dma_wait3A_86 : memref<1x400x128xf32, #tpu.memory_space<vmem>> -> memref<400x128xf32, #tpu.memory_space<vmem>>
        tpu.wait_dma2 semaphore(%arg9 : memref<!tpu.dma_semaphore, #tpu.memory_space<semaphore_mem>>) src(%dma_wait3A_87 : memref<400x128xf32, #tpu.memory_space<vmem>>) dst(%dma_wait3A_83 : memref<400x128xf32, #tpu.memory_space<hbm>>)
      } else {
      }
      %ge3A_45 = arith.constant 2 : i32
      %ge3A_46 = arith.cmpi sge, %scan3A_37, %ge3A_45 : i32
      %eq3A_47 = arith.constant 1 : i32
      %eq3A_48 = arith.cmpi eq, %rem3A_38, %eq3A_47 : i32
      %and3A_49 = arith.andi %ge3A_46, %eq3A_48 : i1
      %convert_element_type3A_50 = arith.extui %and3A_49 : i1 to i32
      %cond3A_51 = arith.constant 0 : i32
      %cond3A_52 = arith.cmpi ne, %convert_element_type3A_50, %cond3A_51 : i32
      scf.if %cond3A_52 {
        %dma_wait3A_75 = arith.constant 1 : i32
        %dma_wait3A_76 = arith.constant 0 : i32
        %dma_wait3A_77 = arith.constant 0 : i32
        %dma_wait3A_78 = tpu.memref_slice %arg6[%dma_wait3A_75, %dma_wait3A_76, %dma_wait3A_77] : memref<2x400x128xf32, #tpu.memory_space<vmem>> -> memref<1x400x128xf32, #tpu.memory_space<vmem>>
        %dma_wait3A_79 = tpu.memref_squeeze %dma_wait3A_78 : memref<1x400x128xf32, #tpu.memory_space<vmem>> -> memref<400x128xf32, #tpu.memory_space<vmem>>
        %dma_wait3A_80 = arith.constant 0 : i32
        %dma_wait3A_81 = tpu.memref_slice %arg4[%mul3A_2, %dma_wait3A_80] : memref<320000x128xf32, #tpu.memory_space<hbm>> -> memref<400x128xf32, #tpu.memory_space<hbm>>
        %dma_wait3A_82 = arith.constant 0 : i32
        %dma_wait3A_83 = tpu.memref_slice %arg4[%mul3A_2, %dma_wait3A_82] : memref<320000x128xf32, #tpu.memory_space<hbm>> -> memref<400x128xf32, #tpu.memory_space<hbm>>
        %dma_wait3A_84 = arith.constant 0 : i32
        %dma_wait3A_85 = arith.constant 0 : i32
        %dma_wait3A_86 = tpu.memref_slice %arg6[%dma_wait3A_75, %dma_wait3A_84, %dma_wait3A_85] : memref<2x400x128xf32, #tpu.memory_space<vmem>> -> memref<1x400x128xf32, #tpu.memory_space<vmem>>
        %dma_wait3A_87 = tpu.memref_squeeze %dma_wait3A_86 : memref<1x400x128xf32, #tpu.memory_space<vmem>> -> memref<400x128xf32, #tpu.memory_space<vmem>>
        tpu.wait_dma2 semaphore(%arg10 : memref<!tpu.dma_semaphore, #tpu.memory_space<semaphore_mem>>) src(%dma_wait3A_87 : memref<400x128xf32, #tpu.memory_space<vmem>>) dst(%dma_wait3A_83 : memref<400x128xf32, #tpu.memory_space<hbm>>)
      } else {
      }
      %scan3A_53 = arith.constant 0 : i32
      %scan3A_54 = arith.constant 0 : i32
      %scan3A_55 = arith.constant 25 : i32
      %scan3A_56 = arith.addi %scan3A_54, %scan3A_55 : i32
      %scan3A_57 = arith.constant 1 : i32
      scf.for %scan3A_75 = %scan3A_54 to %scan3A_56 step %scan3A_57  : i32 {
        %mul3A_76 = arith.constant 400 : i32
        %mul3A_77 = arith.muli %scan3A_37, %mul3A_76 : i32
        %mul3A_78 = arith.constant 16 : i32
        %mul3A_79 = arith.muli %scan3A_75, %mul3A_78 : i32
        %add3A_80 = arith.addi %mul3A_77, %mul3A_79 : i32
        %add3A_81 = vector.broadcast %add3A_80 : i32 to vector<16xi32>
        %add3A_82 = arith.addi %add3A_81, %iota3A : vector<16xi32>
        %gather3A = tpu.vector_load_idx %arg5[%add3A_82] : memref<20000xi32, #tpu.memory_space<vmem>>[vector<16xi32>], vector<16xi32>,
        %add3A_83 = arith.constant 10000 : i32
        %add3A_84 = vector.broadcast %add3A_83 : i32 to vector<16xi32>
        %add3A_85 = arith.addi %add3A_82, %add3A_84 : vector<16xi32>
        %gather3A_86 = tpu.vector_load_idx %arg5[%add3A_85] : memref<20000xi32, #tpu.memory_space<vmem>>[vector<16xi32>], vector<16xi32>,
        %mul3A_87 = arith.constant 3 : i32
        %mul3A_88 = vector.broadcast %mul3A_87 : i32 to vector<16xi32>
        %mul3A_89 = arith.muli %gather3A, %mul3A_88 : vector<16xi32>
        %add3A_90 = arith.addi %mul3A_89, %gather3A_86 : vector<16xi32>
        %mul3A_91 = arith.constant 16 : i32
        %mul3A_92 = arith.muli %scan3A_75, %mul3A_91 : i32
        %dma_start3A = arith.constant 0 : i32
        %dma_start3A_93 = tpu.memref_slice %arg6[%rem3A_38, %mul3A_92, %dma_start3A] : memref<2x400x128xf32, #tpu.memory_space<vmem>> -> memref<1x16x128xf32, #tpu.memory_space<vmem>>
        %dma_start3A_94 = tpu.memref_squeeze %dma_start3A_93 : memref<1x16x128xf32, #tpu.memory_space<vmem>> -> memref<16x128xf32, #tpu.memory_space<vmem>>
        %dma_start3A_95 = arith.constant 0 : i32
        %dma_start3A_96 = arith.constant 0 : i32
        %dma_start3A_97 = tpu.memref_slice %arg7[%dma_start3A_95, %dma_start3A_96] : memref<18x128xf32, #tpu.memory_space<vmem_shared>> -> memref<18x128xf32, #tpu.memory_space<vmem_shared>>
        tpu.enqueue_indirect_dma source(%dma_start3A_97 : memref<18x128xf32, #tpu.memory_space<vmem_shared>>) target(%dma_start3A_94 : memref<16x128xf32, #tpu.memory_space<vmem>>) offsets(%add3A_90 : vector<16xi32>) semaphore(%arg8 : memref<!tpu.dma_semaphore, #tpu.memory_space<semaphore_mem>>)
      }
      %scan3A_58 = arith.constant 25 : i32
      %scan3A_59 = arith.constant 0 : i32
      %scan3A_60 = arith.constant 0 : i32
      %scan3A_61 = arith.constant 25 : i32
      %scan3A_62 = arith.addi %scan3A_60, %scan3A_61 : i32
      %scan3A_63 = arith.constant 1 : i32
      scf.for %scan3A_75 = %scan3A_60 to %scan3A_62 step %scan3A_63  : i32 {
        %dma_wait3A_76 = arith.constant 0 : i32
        %dma_wait3A_77 = arith.constant 0 : i32
        %dma_wait3A_78 = tpu.memref_slice %arg6[%rem3A_38, %dma_wait3A_76, %dma_wait3A_77] : memref<2x400x128xf32, #tpu.memory_space<vmem>> -> memref<1x16x128xf32, #tpu.memory_space<vmem>>
        %dma_wait3A_79 = tpu.memref_squeeze %dma_wait3A_78 : memref<1x16x128xf32, #tpu.memory_space<vmem>> -> memref<16x128xf32, #tpu.memory_space<vmem>>
        %dma_wait3A_80 = arith.constant 0 : i32
        %dma_wait3A_81 = arith.constant 0 : i32
        %dma_wait3A_82 = tpu.memref_slice %arg7[%dma_wait3A_80, %dma_wait3A_81] : memref<18x128xf32, #tpu.memory_space<vmem_shared>> -> memref<18x128xf32, #tpu.memory_space<vmem_shared>>
        tpu.wait_indirect_dma semaphore(%arg8 : memref<!tpu.dma_semaphore, #tpu.memory_space<semaphore_mem>>) src(%dma_wait3A_82 : memref<18x128xf32, #tpu.memory_space<vmem_shared>>) dst(%dma_wait3A_79 : memref<16x128xf32, #tpu.memory_space<vmem>>)
      }
      %scan3A_64 = arith.constant 25 : i32
      %eq3A_65 = arith.constant 0 : i32
      %eq3A_66 = arith.cmpi eq, %rem3A_38, %eq3A_65 : i32
      %convert_element_type3A_67 = arith.extui %eq3A_66 : i1 to i32
      %cond3A_68 = arith.constant 0 : i32
      %cond3A_69 = arith.cmpi ne, %convert_element_type3A_67, %cond3A_68 : i32
      scf.if %cond3A_69 {
        %mul3A_75 = arith.constant 400 : i32
        %mul3A_76 = arith.muli %scan3A_37, %mul3A_75 : i32
        %add3A_77 = arith.addi %mul3A_2, %mul3A_76 : i32
        %dma_start3A = arith.constant 0 : i32
        %dma_start3A_78 = arith.constant 0 : i32
        %dma_start3A_79 = arith.constant 0 : i32
        %dma_start3A_80 = tpu.memref_slice %arg6[%dma_start3A, %dma_start3A_78, %dma_start3A_79] : memref<2x400x128xf32, #tpu.memory_space<vmem>> -> memref<1x400x128xf32, #tpu.memory_space<vmem>>
        %dma_start3A_81 = tpu.memref_squeeze %dma_start3A_80 : memref<1x400x128xf32, #tpu.memory_space<vmem>> -> memref<400x128xf32, #tpu.memory_space<vmem>>
        %dma_start3A_82 = arith.constant 0 : i32
        %dma_start3A_83 = tpu.memref_slice %arg4[%add3A_77, %dma_start3A_82] : memref<320000x128xf32, #tpu.memory_space<hbm>> -> memref<400x128xf32, #tpu.memory_space<hbm>>
        %dma_start3A_84 = arith.constant 0 : i32
        %dma_start3A_85 = tpu.memref_slice %arg4[%add3A_77, %dma_start3A_84] : memref<320000x128xf32, #tpu.memory_space<hbm>> -> memref<400x128xf32, #tpu.memory_space<hbm>>
        %dma_start3A_86 = arith.constant 0 : i32
        %dma_start3A_87 = arith.constant 0 : i32
        %dma_start3A_88 = tpu.memref_slice %arg6[%dma_start3A, %dma_start3A_86, %dma_start3A_87] : memref<2x400x128xf32, #tpu.memory_space<vmem>> -> memref<1x400x128xf32, #tpu.memory_space<vmem>>
        %dma_start3A_89 = tpu.memref_squeeze %dma_start3A_88 : memref<1x400x128xf32, #tpu.memory_space<vmem>> -> memref<400x128xf32, #tpu.memory_space<vmem>>
        tpu.enqueue_dma source(%dma_start3A_89 : memref<400x128xf32, #tpu.memory_space<vmem>>) target(%dma_start3A_85 : memref<400x128xf32, #tpu.memory_space<hbm>>) target_semaphore(%arg9 : memref<!tpu.dma_semaphore, #tpu.memory_space<semaphore_mem>>)
      } else {
      }
      %eq3A_70 = arith.constant 1 : i32
      %eq3A_71 = arith.cmpi eq, %rem3A_38, %eq3A_70 : i32
      %convert_element_type3A_72 = arith.extui %eq3A_71 : i1 to i32
      %cond3A_73 = arith.constant 0 : i32
      %cond3A_74 = arith.cmpi ne, %convert_element_type3A_72, %cond3A_73 : i32
      scf.if %cond3A_74 {
        %mul3A_75 = arith.constant 400 : i32
        %mul3A_76 = arith.muli %scan3A_37, %mul3A_75 : i32
        %add3A_77 = arith.addi %mul3A_2, %mul3A_76 : i32
        %dma_start3A = arith.constant 1 : i32
        %dma_start3A_78 = arith.constant 0 : i32
        %dma_start3A_79 = arith.constant 0 : i32
        %dma_start3A_80 = tpu.memref_slice %arg6[%dma_start3A, %dma_start3A_78, %dma_start3A_79] : memref<2x400x128xf32, #tpu.memory_space<vmem>> -> memref<1x400x128xf32, #tpu.memory_space<vmem>>
        %dma_start3A_81 = tpu.memref_squeeze %dma_start3A_80 : memref<1x400x128xf32, #tpu.memory_space<vmem>> -> memref<400x128xf32, #tpu.memory_space<vmem>>
        %dma_start3A_82 = arith.constant 0 : i32
        %dma_start3A_83 = tpu.memref_slice %arg4[%add3A_77, %dma_start3A_82] : memref<320000x128xf32, #tpu.memory_space<hbm>> -> memref<400x128xf32, #tpu.memory_space<hbm>>
        %dma_start3A_84 = arith.constant 0 : i32
        %dma_start3A_85 = tpu.memref_slice %arg4[%add3A_77, %dma_start3A_84] : memref<320000x128xf32, #tpu.memory_space<hbm>> -> memref<400x128xf32, #tpu.memory_space<hbm>>
        %dma_start3A_86 = arith.constant 0 : i32
        %dma_start3A_87 = arith.constant 0 : i32
        %dma_start3A_88 = tpu.memref_slice %arg6[%dma_start3A, %dma_start3A_86, %dma_start3A_87] : memref<2x400x128xf32, #tpu.memory_space<vmem>> -> memref<1x400x128xf32, #tpu.memory_space<vmem>>
        %dma_start3A_89 = tpu.memref_squeeze %dma_start3A_88 : memref<1x400x128xf32, #tpu.memory_space<vmem>> -> memref<400x128xf32, #tpu.memory_space<vmem>>
        tpu.enqueue_dma source(%dma_start3A_89 : memref<400x128xf32, #tpu.memory_space<vmem>>) target(%dma_start3A_85 : memref<400x128xf32, #tpu.memory_space<hbm>>) target_semaphore(%arg10 : memref<!tpu.dma_semaphore, #tpu.memory_space<semaphore_mem>>)
      } else {
      }
    }
    %scan3A_11 = arith.constant 25 : i32
    %dma_wait3A = arith.constant 0 : i32
    %dma_wait3A_12 = arith.constant 0 : i32
    %dma_wait3A_13 = arith.constant 0 : i32
    %dma_wait3A_14 = tpu.memref_slice %arg6[%dma_wait3A, %dma_wait3A_12, %dma_wait3A_13] : memref<2x400x128xf32, #tpu.memory_space<vmem>> -> memref<1x400x128xf32, #tpu.memory_space<vmem>>
    %dma_wait3A_15 = tpu.memref_squeeze %dma_wait3A_14 : memref<1x400x128xf32, #tpu.memory_space<vmem>> -> memref<400x128xf32, #tpu.memory_space<vmem>>
    %dma_wait3A_16 = arith.constant 0 : i32
    %dma_wait3A_17 = tpu.memref_slice %arg4[%mul3A_2, %dma_wait3A_16] : memref<320000x128xf32, #tpu.memory_space<hbm>> -> memref<400x128xf32, #tpu.memory_space<hbm>>
    %dma_wait3A_18 = arith.constant 0 : i32
    %dma_wait3A_19 = tpu.memref_slice %arg4[%mul3A_2, %dma_wait3A_18] : memref<320000x128xf32, #tpu.memory_space<hbm>> -> memref<400x128xf32, #tpu.memory_space<hbm>>
    %dma_wait3A_20 = arith.constant 0 : i32
    %dma_wait3A_21 = arith.constant 0 : i32
    %dma_wait3A_22 = tpu.memref_slice %arg6[%dma_wait3A, %dma_wait3A_20, %dma_wait3A_21] : memref<2x400x128xf32, #tpu.memory_space<vmem>> -> memref<1x400x128xf32, #tpu.memory_space<vmem>>
    %dma_wait3A_23 = tpu.memref_squeeze %dma_wait3A_22 : memref<1x400x128xf32, #tpu.memory_space<vmem>> -> memref<400x128xf32, #tpu.memory_space<vmem>>
    tpu.wait_dma2 semaphore(%arg10 : memref<!tpu.dma_semaphore, #tpu.memory_space<semaphore_mem>>) src(%dma_wait3A_23 : memref<400x128xf32, #tpu.memory_space<vmem>>) dst(%dma_wait3A_19 : memref<400x128xf32, #tpu.memory_space<hbm>>)
    %dma_wait3A_24 = arith.constant 0 : i32
    %dma_wait3A_25 = arith.constant 0 : i32
    %dma_wait3A_26 = arith.constant 0 : i32
    %dma_wait3A_27 = tpu.memref_slice %arg6[%dma_wait3A_24, %dma_wait3A_25, %dma_wait3A_26] : memref<2x400x128xf32, #tpu.memory_space<vmem>> -> memref<1x400x128xf32, #tpu.memory_space<vmem>>
    %dma_wait3A_28 = tpu.memref_squeeze %dma_wait3A_27 : memref<1x400x128xf32, #tpu.memory_space<vmem>> -> memref<400x128xf32, #tpu.memory_space<vmem>>
    %dma_wait3A_29 = arith.constant 0 : i32
    %dma_wait3A_30 = tpu.memref_slice %arg4[%mul3A_2, %dma_wait3A_29] : memref<320000x128xf32, #tpu.memory_space<hbm>> -> memref<400x128xf32, #tpu.memory_space<hbm>>
    %dma_wait3A_31 = arith.constant 0 : i32
    %dma_wait3A_32 = tpu.memref_slice %arg4[%mul3A_2, %dma_wait3A_31] : memref<320000x128xf32, #tpu.memory_space<hbm>> -> memref<400x128xf32, #tpu.memory_space<hbm>>
    %dma_wait3A_33 = arith.constant 0 : i32
    %dma_wait3A_34 = arith.constant 0 : i32
    %dma_wait3A_35 = tpu.memref_slice %arg6[%dma_wait3A_24, %dma_wait3A_33, %dma_wait3A_34] : memref<2x400x128xf32, #tpu.memory_space<vmem>> -> memref<1x400x128xf32, #tpu.memory_space<vmem>>
    %dma_wait3A_36 = tpu.memref_squeeze %dma_wait3A_35 : memref<1x400x128xf32, #tpu.memory_space<vmem>> -> memref<400x128xf32, #tpu.memory_space<vmem>>
    tpu.wait_dma2 semaphore(%arg9 : memref<!tpu.dma_semaphore, #tpu.memory_space<semaphore_mem>>) src(%dma_wait3A_36 : memref<400x128xf32, #tpu.memory_space<vmem>>) dst(%dma_wait3A_32 : memref<400x128xf32, #tpu.memory_space<hbm>>)
    return
  }
}

module attributes {stable_mosaic.version = 14 : i64} {
  func.func @_combo_body(%arg0: memref<6x128xf32, #tpu.memory_space<vmem>>, %arg1: memref<3x128xf32, #tpu.memory_space<vmem>>, %arg2: memref<18x128xf32, #tpu.memory_space<vmem>>) attributes {dimension_semantics = [], scalar_prefetch = 0 : i64, scratch_operands = 0 : i64, tpu.core_type = #tpu.core_type<tc>} {
    %iota3A = tpu.iota {dimensions = array<i32: 0>} : vector<18x128xi32>
    %jit3A = arith.constant 3 : i32
    %div3A = vector.broadcast %jit3A : i32 to vector<18x128xi32>
    %div3A_0 = arith.divsi %iota3A, %div3A : vector<18x128xi32>
    %sign3A = arith.constant 0 : i32
    %sign3A_1 = vector.broadcast %sign3A : i32 to vector<18x128xi32>
    %sign3A_2 = arith.cmpi sgt, %iota3A, %sign3A_1 : vector<18x128xi32>
    %sign3A_3 = arith.extui %sign3A_2 : vector<18x128xi1> to vector<18x128xi32>
    %sign3A_4 = arith.constant 0 : i32
    %sign3A_5 = vector.broadcast %sign3A_4 : i32 to vector<18x128xi32>
    %sign3A_6 = arith.cmpi slt, %iota3A, %sign3A_5 : vector<18x128xi32>
    %sign3A_7 = arith.extui %sign3A_6 : vector<18x128xi1> to vector<18x128xi32>
    %sign3A_8 = arith.subi %sign3A_3, %sign3A_7 : vector<18x128xi32>
    %sign3A_9 = arith.constant 0 : i32
    %sign3A_10 = arith.cmpi sgt, %jit3A, %sign3A_9 : i32
    %sign3A_11 = arith.extui %sign3A_10 : i1 to i32
    %sign3A_12 = arith.constant 0 : i32
    %sign3A_13 = arith.cmpi slt, %jit3A, %sign3A_12 : i32
    %sign3A_14 = arith.extui %sign3A_13 : i1 to i32
    %sign3A_15 = arith.subi %sign3A_11, %sign3A_14 : i32
    %ne3A = vector.broadcast %sign3A_15 : i32 to vector<18x128xi32>
    %ne3A_16 = arith.cmpi ne, %sign3A_8, %ne3A : vector<18x128xi32>
    %rem3A = vector.broadcast %jit3A : i32 to vector<18x128xi32>
    %rem3A_17 = arith.remsi %iota3A, %rem3A : vector<18x128xi32>
    %ne3A_18 = arith.constant 0 : i32
    %ne3A_19 = vector.broadcast %ne3A_18 : i32 to vector<18x128xi32>
    %ne3A_20 = arith.cmpi ne, %rem3A_17, %ne3A_19 : vector<18x128xi32>
    %and3A = arith.andi %ne3A_16, %ne3A_20 : vector<18x128xi1>
    %sub3A = arith.constant 1 : i32
    %sub3A_21 = vector.broadcast %sub3A : i32 to vector<18x128xi32>
    %sub3A_22 = arith.subi %div3A_0, %sub3A_21 : vector<18x128xi32>
    %select_n3A = arith.select %and3A, %sub3A_22, %div3A_0 : vector<18x128xi1>, vector<18x128xi32>
    %mul3A = arith.constant 3 : i32
    %mul3A_23 = vector.broadcast %mul3A : i32 to vector<18x128xi32>
    %mul3A_24 = arith.muli %select_n3A, %mul3A_23 : vector<18x128xi32>
    %sub3A_25 = arith.subi %iota3A, %mul3A_24 : vector<18x128xi32>
    %broadcast_in_dim3A = arith.constant 0.000000e+00 : f32
    %broadcast_in_dim3A_26 = vector.broadcast %broadcast_in_dim3A : f32 to vector<18x128xf32>
    %eq3A = arith.constant 0 : i32
    %eq3A_27 = vector.broadcast %eq3A : i32 to vector<18x128xi32>
    %eq3A_28 = arith.cmpi eq, %select_n3A, %eq3A_27 : vector<18x128xi32>
    %get3A = arith.constant 0 : index
    %get3A_29 = arith.constant 0 : index
    %get3A_30 = vector.load %arg0[%get3A, %get3A_29] : memref<6x128xf32, #tpu.memory_space<vmem>>, vector<1x128xf32>
    %get3A_31 = vector.shape_cast %get3A_30 : vector<1x128xf32> to vector<128xf32>
    %broadcast_in_dim3A_32 = vector.shape_cast %get3A_31 : vector<128xf32> to vector<1x128xf32>
    %broadcast_in_dim3A_33 = vector.shape_cast %broadcast_in_dim3A_32 : vector<1x128xf32> to vector<1x128xf32>
    %broadcast_in_dim3A_34 = vector.broadcast %broadcast_in_dim3A_33 : vector<1x128xf32> to vector<18x128xf32>
    %select_n3A_35 = arith.select %eq3A_28, %broadcast_in_dim3A_34, %broadcast_in_dim3A_26 : vector<18x128xi1>, vector<18x128xf32>
    %eq3A_36 = arith.constant 1 : i32
    %eq3A_37 = vector.broadcast %eq3A_36 : i32 to vector<18x128xi32>
    %eq3A_38 = arith.cmpi eq, %select_n3A, %eq3A_37 : vector<18x128xi32>
    %get3A_39 = arith.constant 1 : index
    %get3A_40 = arith.constant 0 : index
    %get3A_41 = vector.load %arg0[%get3A_39, %get3A_40] : memref<6x128xf32, #tpu.memory_space<vmem>>, vector<1x128xf32>
    %get3A_42 = vector.shape_cast %get3A_41 : vector<1x128xf32> to vector<128xf32>
    %broadcast_in_dim3A_43 = vector.shape_cast %get3A_42 : vector<128xf32> to vector<1x128xf32>
    %broadcast_in_dim3A_44 = vector.shape_cast %broadcast_in_dim3A_43 : vector<1x128xf32> to vector<1x128xf32>
    %broadcast_in_dim3A_45 = vector.broadcast %broadcast_in_dim3A_44 : vector<1x128xf32> to vector<18x128xf32>
    %select_n3A_46 = arith.select %eq3A_38, %broadcast_in_dim3A_45, %select_n3A_35 : vector<18x128xi1>, vector<18x128xf32>
    %eq3A_47 = arith.constant 2 : i32
    %eq3A_48 = vector.broadcast %eq3A_47 : i32 to vector<18x128xi32>
    %eq3A_49 = arith.cmpi eq, %select_n3A, %eq3A_48 : vector<18x128xi32>
    %get3A_50 = arith.constant 2 : index
    %get3A_51 = arith.constant 0 : index
    %get3A_52 = vector.load %arg0[%get3A_50, %get3A_51] : memref<6x128xf32, #tpu.memory_space<vmem>>, vector<1x128xf32>
    %get3A_53 = vector.shape_cast %get3A_52 : vector<1x128xf32> to vector<128xf32>
    %broadcast_in_dim3A_54 = vector.shape_cast %get3A_53 : vector<128xf32> to vector<1x128xf32>
    %broadcast_in_dim3A_55 = vector.shape_cast %broadcast_in_dim3A_54 : vector<1x128xf32> to vector<1x128xf32>
    %broadcast_in_dim3A_56 = vector.broadcast %broadcast_in_dim3A_55 : vector<1x128xf32> to vector<18x128xf32>
    %select_n3A_57 = arith.select %eq3A_49, %broadcast_in_dim3A_56, %select_n3A_46 : vector<18x128xi1>, vector<18x128xf32>
    %eq3A_58 = arith.constant 3 : i32
    %eq3A_59 = vector.broadcast %eq3A_58 : i32 to vector<18x128xi32>
    %eq3A_60 = arith.cmpi eq, %select_n3A, %eq3A_59 : vector<18x128xi32>
    %get3A_61 = arith.constant 3 : index
    %get3A_62 = arith.constant 0 : index
    %get3A_63 = vector.load %arg0[%get3A_61, %get3A_62] : memref<6x128xf32, #tpu.memory_space<vmem>>, vector<1x128xf32>
    %get3A_64 = vector.shape_cast %get3A_63 : vector<1x128xf32> to vector<128xf32>
    %broadcast_in_dim3A_65 = vector.shape_cast %get3A_64 : vector<128xf32> to vector<1x128xf32>
    %broadcast_in_dim3A_66 = vector.shape_cast %broadcast_in_dim3A_65 : vector<1x128xf32> to vector<1x128xf32>
    %broadcast_in_dim3A_67 = vector.broadcast %broadcast_in_dim3A_66 : vector<1x128xf32> to vector<18x128xf32>
    %select_n3A_68 = arith.select %eq3A_60, %broadcast_in_dim3A_67, %select_n3A_57 : vector<18x128xi1>, vector<18x128xf32>
    %eq3A_69 = arith.constant 4 : i32
    %eq3A_70 = vector.broadcast %eq3A_69 : i32 to vector<18x128xi32>
    %eq3A_71 = arith.cmpi eq, %select_n3A, %eq3A_70 : vector<18x128xi32>
    %get3A_72 = arith.constant 4 : index
    %get3A_73 = arith.constant 0 : index
    %get3A_74 = vector.load %arg0[%get3A_72, %get3A_73] : memref<6x128xf32, #tpu.memory_space<vmem>>, vector<1x128xf32>
    %get3A_75 = vector.shape_cast %get3A_74 : vector<1x128xf32> to vector<128xf32>
    %broadcast_in_dim3A_76 = vector.shape_cast %get3A_75 : vector<128xf32> to vector<1x128xf32>
    %broadcast_in_dim3A_77 = vector.shape_cast %broadcast_in_dim3A_76 : vector<1x128xf32> to vector<1x128xf32>
    %broadcast_in_dim3A_78 = vector.broadcast %broadcast_in_dim3A_77 : vector<1x128xf32> to vector<18x128xf32>
    %select_n3A_79 = arith.select %eq3A_71, %broadcast_in_dim3A_78, %select_n3A_68 : vector<18x128xi1>, vector<18x128xf32>
    %eq3A_80 = arith.constant 5 : i32
    %eq3A_81 = vector.broadcast %eq3A_80 : i32 to vector<18x128xi32>
    %eq3A_82 = arith.cmpi eq, %select_n3A, %eq3A_81 : vector<18x128xi32>
    %get3A_83 = arith.constant 5 : index
    %get3A_84 = arith.constant 0 : index
    %get3A_85 = vector.load %arg0[%get3A_83, %get3A_84] : memref<6x128xf32, #tpu.memory_space<vmem>>, vector<1x128xf32>
    %get3A_86 = vector.shape_cast %get3A_85 : vector<1x128xf32> to vector<128xf32>
    %broadcast_in_dim3A_87 = vector.shape_cast %get3A_86 : vector<128xf32> to vector<1x128xf32>
    %broadcast_in_dim3A_88 = vector.shape_cast %broadcast_in_dim3A_87 : vector<1x128xf32> to vector<1x128xf32>
    %broadcast_in_dim3A_89 = vector.broadcast %broadcast_in_dim3A_88 : vector<1x128xf32> to vector<18x128xf32>
    %select_n3A_90 = arith.select %eq3A_82, %broadcast_in_dim3A_89, %select_n3A_79 : vector<18x128xi1>, vector<18x128xf32>
    %eq3A_91 = arith.constant 0 : i32
    %eq3A_92 = vector.broadcast %eq3A_91 : i32 to vector<18x128xi32>
    %eq3A_93 = arith.cmpi eq, %sub3A_25, %eq3A_92 : vector<18x128xi32>
    %get3A_94 = arith.constant 0 : index
    %get3A_95 = arith.constant 0 : index
    %get3A_96 = vector.load %arg1[%get3A_94, %get3A_95] : memref<3x128xf32, #tpu.memory_space<vmem>>, vector<1x128xf32>
    %get3A_97 = vector.shape_cast %get3A_96 : vector<1x128xf32> to vector<128xf32>
    %broadcast_in_dim3A_98 = vector.shape_cast %get3A_97 : vector<128xf32> to vector<1x128xf32>
    %jit3A_99 = arith.constant 0.000000e+00 : f32
    %broadcast_in_dim3A_100 = vector.shape_cast %broadcast_in_dim3A_98 : vector<1x128xf32> to vector<1x128xf32>
    %broadcast_in_dim3A_101 = vector.broadcast %broadcast_in_dim3A_100 : vector<1x128xf32> to vector<18x128xf32>
    %broadcast_in_dim3A_102 = vector.broadcast %jit3A_99 : f32 to vector<18x128xf32>
    %select_n3A_103 = arith.select %eq3A_93, %broadcast_in_dim3A_101, %broadcast_in_dim3A_102 : vector<18x128xi1>, vector<18x128xf32>
    %add3A = arith.addf %select_n3A_90, %select_n3A_103 : vector<18x128xf32>
    %eq3A_104 = arith.constant 1 : i32
    %eq3A_105 = vector.broadcast %eq3A_104 : i32 to vector<18x128xi32>
    %eq3A_106 = arith.cmpi eq, %sub3A_25, %eq3A_105 : vector<18x128xi32>
    %get3A_107 = arith.constant 1 : index
    %get3A_108 = arith.constant 0 : index
    %get3A_109 = vector.load %arg1[%get3A_107, %get3A_108] : memref<3x128xf32, #tpu.memory_space<vmem>>, vector<1x128xf32>
    %get3A_110 = vector.shape_cast %get3A_109 : vector<1x128xf32> to vector<128xf32>
    %broadcast_in_dim3A_111 = vector.shape_cast %get3A_110 : vector<128xf32> to vector<1x128xf32>
    %jit3A_112 = arith.constant 0.000000e+00 : f32
    %broadcast_in_dim3A_113 = vector.shape_cast %broadcast_in_dim3A_111 : vector<1x128xf32> to vector<1x128xf32>
    %broadcast_in_dim3A_114 = vector.broadcast %broadcast_in_dim3A_113 : vector<1x128xf32> to vector<18x128xf32>
    %broadcast_in_dim3A_115 = vector.broadcast %jit3A_112 : f32 to vector<18x128xf32>
    %select_n3A_116 = arith.select %eq3A_106, %broadcast_in_dim3A_114, %broadcast_in_dim3A_115 : vector<18x128xi1>, vector<18x128xf32>
    %add3A_117 = arith.addf %add3A, %select_n3A_116 : vector<18x128xf32>
    %eq3A_118 = arith.constant 2 : i32
    %eq3A_119 = vector.broadcast %eq3A_118 : i32 to vector<18x128xi32>
    %eq3A_120 = arith.cmpi eq, %sub3A_25, %eq3A_119 : vector<18x128xi32>
    %get3A_121 = arith.constant 2 : index
    %get3A_122 = arith.constant 0 : index
    %get3A_123 = vector.load %arg1[%get3A_121, %get3A_122] : memref<3x128xf32, #tpu.memory_space<vmem>>, vector<1x128xf32>
    %get3A_124 = vector.shape_cast %get3A_123 : vector<1x128xf32> to vector<128xf32>
    %broadcast_in_dim3A_125 = vector.shape_cast %get3A_124 : vector<128xf32> to vector<1x128xf32>
    %jit3A_126 = arith.constant 0.000000e+00 : f32
    %broadcast_in_dim3A_127 = vector.shape_cast %broadcast_in_dim3A_125 : vector<1x128xf32> to vector<1x128xf32>
    %broadcast_in_dim3A_128 = vector.broadcast %broadcast_in_dim3A_127 : vector<1x128xf32> to vector<18x128xf32>
    %broadcast_in_dim3A_129 = vector.broadcast %jit3A_126 : f32 to vector<18x128xf32>
    %select_n3A_130 = arith.select %eq3A_120, %broadcast_in_dim3A_128, %broadcast_in_dim3A_129 : vector<18x128xi1>, vector<18x128xf32>
    %add3A_131 = arith.addf %add3A_117, %select_n3A_130 : vector<18x128xf32>
    %swap3A = arith.constant 0 : index
    %swap3A_132 = arith.constant 0 : index
    %swap3A_133 = vector.load %arg2[%swap3A, %swap3A_132] : memref<18x128xf32, #tpu.memory_space<vmem>>, vector<18x128xf32>
    tpu.vector_store %arg2[%swap3A, %swap3A_132], %add3A_131 {strides = array<i32>} : memref<18x128xf32, #tpu.memory_space<vmem>>, vector<18x128xf32>,
    return
  }
}

</mosaic_0001>

<sc_bundles>
// kernel: kernel.4.cloned.1.call-start
scs
__scs_entry_jumppad:
0x0: {  	(pc) =	sbr.rel $0x88, $3  }
0x1: {  	(tag) =	ssettag $0x0;
	lr =	simm.s32 $0x1  }
0x2: {  	[smem:$0x3F9E] =	sst lr;
	_ =	strace $0xD0000000  }
0x3: {  	_ = 	snop  }
0x4: {  	_ = 	snop  }
0x5: {  	_ = 	snop  }
0x6: {  	_ = 	snop  }
0x7: {  	_ = 	snop  }
__scs_overlays_trampoline_lowered:
0x8: {  	[smem:$0x3FAD] =	sst s0  }
0x9: {  	[smem:$0x3FAE] =	sst s1  }
0xa: {  	[smem:$0x3FAF] =	sst s2  }
0xb: {  	[smem:$0x3FB0] =	sst s3  }
0xc: {  	[smem:$0x3FB1] =	sst s4  }
0xd: {  	[smem:$0x3FB2] =	sst s5  }
0xe: {  	[smem:$0x3FB3] =	sst s6  }
0xf: {  	[smem:$0x3FB4] =	sst s7  }
0x10: {  	[smem:$0x3FB5] =	sst s8  }
0x11: {  	[smem:$0x3FB6] =	sst s9;
	s0 =	simm.s32 @!p0 $0x0  }
0x12: {  	s1 =	sld [smem:$0x3F9C];
	s0 =	simm.s32 @p0 $0x1  }
0x13: {  	[smem:$0x3FB7] =	sst s0;
	s0 =	simm.s32 @!p1 $0x0  }
0x14: {  	s2 =	sld [smem:$0x3F9B];
	s0 =	simm.s32 @p1 $0x1  }
0x15: {  	[smem:$0x3FB8] =	sst s0;
	s0 =	simm.s32 @!p2 $0x0  }
0x16: {  	s3 =	sld [smem:$0x3FDB];
	s0 =	simm.s32 @p2 $0x1  }
0x17: {  	s4 =	simm.s32 $0x1BF5;
	[smem:$0x3FBA] =	sst s0  }
0x18: {  	s0 =	sld [smem:$0x3F9D];
	_ =	swait.ge [sflag:s4], $0x0  }
0x19: {  	s7 =	sld [smem:$0x3F9E]  }
0x1a: {  	s8 =	sadd.s32 $0xFFFFE003, lr  }
0x1b: {  	s9 =	sadd.s32 $0xFFFFFEF7, lr;
	s5 =	simm.s32 $0xFFFFFFFF;
	p2 =	slt.u32 s8, $0xFFFFF086  }
0x1c: {  	p1 =	slt.u32 s9, $0xF7A;
	s5 =	simm.s32 @!p2 $0x0  }
0x1d: {  	s5 =	simm.s32 @p1 $0x1;
	p0 =	seq.s32 s7, s2  }
0x1e: {  	s7 =	smul.u32 @!p0 $0xF7A, s2;
	p2 =	seq.s32 @!p0 s5, $0x0  }
0x1f: {  	s9 =	smul.u32 $0xF7A, s1;
	s8 =	simm.s32 @!p0 $0x1BF5;
	p2 =	por !p2, p0  }
0x20: {  	[sflag:s8] =	ssyncset.s32 @!p0 $0xFFFFF086;
	s6 =	sadd.s32 @!p0 s3, s7;
	s7 =	simm.s32 @!p0 $0x108  }
0x21: {  	s3 =	sadd.s32 s3, s9;
	s6 =	sadd.s32 @!p0 $0x88, s6;
	s7 =	simm.s32 @p2 $0x1082  }
0x22: {  	[simem:s7], [sflag:s8] =	dma.local @!p0 [hbm:s6], $0xF7A  }
0x23: {  	s9 =	sor.u32 $0xD0000000, s2;
	s6 =	simm.s32 $0x108;
	_ =	swait.ge @!p0 [sflag:s8], $0x0  }
0x24: {  	s3 =	sadd.s32 $0x88, s3;
	s6 =	simm.s32 @!p1 $0x1082;
	[sflag:s4] =	ssyncset.s32 $0xFFFFF086  }
0x25: {  	[simem:s6], [sflag:s4] =	dma.local [hbm:s3], $0xF7A  }
0x26: {  	[smem:$0x3F9E] =	sst s1;
	(tag) =	ssettag s2;
	_ =	strace s9  }
0x27: {  	s1 =	sld [smem:$0x3FAE]  }
0x28: {  	s2 =	sld [smem:$0x3FAF]  }
0x29: {  	s4 =	sld [smem:$0x3FB1]  }
0x2a: {  	p0 =	seq.s32 s5, $0x0;
	s5 =	sld [smem:$0x3FB2]  }
0x2b: {  	s6 =	sld [smem:$0x3FB3]  }
0x2c: {  	s7 =	sld [smem:$0x3FB4]  }
0x2d: {  	s3 =	simm.s32 $0x108;
	s8 =	sld [smem:$0x3FB5]  }
0x2e: {  	s3 =	simm.s32 @!p0 $0x1082;
	s9 =	sld [smem:$0x3FB6]  }
0x2f: {  	lr =	sadd.s32 s0, s3;
	s0 =	sld [smem:$0x3FAD]  }
0x30: {  	s3 =	sld [smem:$0x3FB0]  }
0x31: {  	[smem:$0x3FB9] =	sst s10  }
0x32: {  	s10 =	sld [smem:$0x3FB7];
	_ =	sdelay $0x3  }
0x33: {  	p0 =	seq.s32 s10, $0x1;
	s10 =	sld [smem:$0x3FB9];
	_ =	sdelay $0x3  }
0x34: {  	[smem:$0x3FB9] =	sst s10  }
0x35: {  	s10 =	sld [smem:$0x3FB8];
	_ =	sdelay $0x3  }
0x36: {  	p1 =	seq.s32 s10, $0x1;
	s10 =	sld [smem:$0x3FB9];
	_ =	sdelay $0x3  }
0x37: {  	[smem:$0x3FB9] =	sst s10  }
0x38: {  	s10 =	sld [smem:$0x3FBA]  }
0x39: {  	_ = 	snop;
	(pc) =	sbr.ind lr, $3  }
0x3a: {  	_ = 	snop  }
0x3b: {  	_ = 	snop  }
0x3c: {  	p2 =	seq.s32 s10, $0x1;
	s10 =	sld [smem:$0x3FB9]  }
0x3d: {  	_ =	shalt  }
0x3e: {  	_ =	shalt  }
0x3f: {  	_ =	shalt  }
0x40: {  	_ =	shalt  }
0x41: {  	_ =	shalt  }
0x42: {  	_ =	shalt  }
0x43: {  	_ =	shalt  }
0x44: {  	_ =	shalt  }
0x45: {  	_ =	shalt  }
0x46: {  	_ =	shalt  }
0x47: {  	_ =	shalt  }
0x48: {  	_ =	shalt  }
0x49: {  	_ =	shalt  }
0x4a: {  	_ =	shalt  }
0x4b: {  	_ =	shalt  }
0x4c: {  	_ =	shalt  }
0x4d: {  	_ =	shalt  }
0x4e: {  	_ =	shalt  }
0x4f: {  	_ =	shalt  }
0x50: {  	_ =	shalt  }
0x51: {  	_ =	shalt  }
0x52: {  	_ =	shalt  }
0x53: {  	_ =	shalt  }
0x54: {  	_ =	shalt  }
0x55: {  	_ =	shalt  }
0x56: {  	_ =	shalt  }
0x57: {  	_ =	shalt  }
0x58: {  	_ =	shalt  }
0x59: {  	_ =	shalt  }
0x5a: {  	_ =	shalt  }
0x5b: {  	_ =	shalt  }
0x5c: {  	_ =	shalt  }
0x5d: {  	_ =	shalt  }
0x5e: {  	_ =	shalt  }
0x5f: {  	_ =	shalt  }
0x60: {  	_ =	shalt  }
0x61: {  	_ =	shalt  }
0x62: {  	_ =	shalt  }
0x63: {  	_ =	shalt  }
0x64: {  	_ =	shalt  }
0x65: {  	_ =	shalt  }
0x66: {  	_ =	shalt  }
0x67: {  	_ =	shalt  }
0x68: {  	_ =	shalt  }
0x69: {  	_ =	shalt  }
0x6a: {  	_ =	shalt  }
0x6b: {  	_ =	shalt  }
0x6c: {  	_ =	shalt  }
0x6d: {  	_ =	shalt  }
0x6e: {  	_ =	shalt  }
0x6f: {  	_ =	shalt  }
0x70: {  	_ =	shalt  }
0x71: {  	_ =	shalt  }
0x72: {  	_ =	shalt  }
0x73: {  	_ =	shalt  }
0x74: {  	_ =	shalt  }
0x75: {  	_ =	shalt  }
0x76: {  	_ =	shalt  }
0x77: {  	_ =	shalt  }
0x78: {  	_ =	shalt  }
0x79: {  	_ =	shalt  }
0x7a: {  	_ =	shalt  }
0x7b: {  	_ =	shalt  }
0x7c: {  	_ =	shalt  }
0x7d: {  	_ =	shalt  }
0x7e: {  	_ =	shalt  }
0x7f: {  	_ =	shalt  }
0x80: {  	_ =	shalt  }
0x81: {  	_ =	shalt  }
0x82: {  	_ =	shalt  }
0x83: {  	_ =	shalt  }
0x84: {  	_ =	shalt  }
0x85: {  	_ =	shalt  }
0x86: {  	_ =	shalt  }
0x87: {  	_ =	shalt  }
.Lfunc_end0:
.L_simem_size_0:
called_computation_lowered:
.L_overlay_start_0:
0x88: {  	s2 =	sld [smem:$0x3FD9]  }
0x89: {  	s3 =	sld [smem:$0x3FFE];
	_ =	sdelay $0x1  }
0x8a: {  	s1 =	srdreg.scid  }
0x8b: {  	s0 =	sand.u32 $0x1, s1  }
0x8c: {  	s17 =	sshll.u32 s0, $0xA;
	s2 =	sadd.s32 s3, s2  }
0x8d: {  	s2 =	sadd.s32 s2, s17  }
0x8e: {  	[smem:$0x3FC5] =	sst s2  }
0x8f: {  	_ = 	snop  }
0x90: {  	s2 =	sld [smem:$0x3FD0];
	(tm) =	ssettm $0x1  }
0x91: {  	s18 =	sld [smem:$0x3FFB];
	_ =	sdelay $0x3  }
0x92: {  	_ =	strace s18  }
0x93: {  	s3 =	sld [smem:$0x3FFC];
	_ =	sdelay $0x3  }
0x94: {  	_ =	strace s3  }
0x95: {  	s3 =	sld [smem:$0x3FFD];
	_ =	sdelay $0x3  }
0x96: {  	_ =	strace s3  }
0x97: {  	_ =	strace $0x8FFFFFFF  }
0x98: {  	s19 =	sld [smem:$0x3FDB];
	_ =	sdelay $0x1  }
0x99: {  	s4 =	simm.s32 $_scs_section_size  }
0x9a: {  	s5 =	simm.s32 $_size__tile_overlayer_lowered;
	s6 =	simm.s32 $_tile_overlayer_lowered  }
0x9b: {  	s22 =	simm.s32 $0x1BFF;
	s21 =	sshll.u32 s6, $0x1;
	s3 =	sadd.s32 s4, s19  }
0x9c: {  	s7 =	simm.s32 $0x0;
	s20 =	sshll.u32 s5, $0x1;
	s5 =	sadd.s32 s21, s3  }
0x9d: {  	[timem:s7], [sflag:s22] =	dma.local [hbm:s5], s20  }
0x9e: {  	_ =	swait.ge [sflag:s22], s20  }
0x9f: {  	s4 =	ssub.s32 $0x0, s20;
	[sflag:s22] =	ssyncset.done $0x0  }
0xa0: {  	[sflag:s22] =	ssyncadd.s32 s4;
	_ =	sdelay $0x1  }
0xa1: {  	s23 =	simm.s32 $0x1B8B  }
0xa2: {  	_ =	swait.ge [sflag:s23], $0x1  }
0xa3: {  	[sflag:s23] =	ssyncset.done $0x0  }
0xa4: {  	s25 =	simm.s32 $0x1B8E;
	s24 =	sld [smem:$0x3FFE];
	[sflag:s23] =	ssyncadd.s32 $0xFFFFFFFF  }
0xa5: {  	s26 =	simm.s32 $execute0_lowered;
	[smem:$0x3FD2] =	sst s25  }
0xa6: {  	s5 =	sshll.u32 s26, $0x1;
	_ =	strace $0x80000046;
	[dreg:$0x1] =	wrdreg $0xFFFFFFFF  }
0xa7: {  	s28 =	simm.s32 $_size_execute0_lowered;
	s3 =	sadd.s32 s3, s5;
	[dreg:$0x0] =	wrdreg $0x0  }
0xa8: {  	s5 =	sshll.u32 s28, $0x1;
	[dreg:$0x2] =	wrdreg s3  }
0xa9: {  	[dreg:$0x3] =	wrdreg s5  }
0xaa: {  	[dreg:$0x4] =	wrdreg $0xC0  }
0xab: {  	_ =	task [dreg:s7], $0x5FFFF  }
0xac: {  	[dreg:$0x1] =	wrdreg $0xFFFFFFFF  }
0xad: {  	[dreg:$0x0] =	wrdreg $0x60  }
0xae: {  	[dreg:$0x2] =	wrdreg s24  }
0xaf: {  	[dreg:$0x3] =	wrdreg s2  }
0xb0: {  	[dreg:$0x4] =	wrdreg $0x1DE800  }
0xb1: {  	[dreg:$0x5] =	wrdreg $0x9  }
0xb2: {  	_ =	task.clear_ibuf [dreg:s7], $0x6FFFF;
	_ =	strace $0x90000046  }
0xb3: {  	s29 =	simm.s32 $0x9;
	_ =	strace $0x80000048  }
0xb4: {  	_ =	swait.ge [sflag:s29], $0x1  }
0xb5: {  	[sflag:s29] =	ssyncadd.s32 $0xFFFFFFFF  }
0xb6: {  	_ =	strace $0x90000048  }
0xb7: {  	_ =	sfence  }
0xb8: {  	s30 =	sld [smem:$0x0];
	_ =	sdelay $0x2  }
0xb9: {  	s31 =	sshll.u32 s1, $0xD;
	s1 =	sshrl.u32 s1, $0x2  }
0xba: {  	s3 =	sand.u32 $0x4000, s31;
	s1 =	sadd.s32 s1, s30  }
0xbb: {  	s0 =	sor.u32 s3, s0;
	s1 =	sshll.u32 s1, $0x11  }
0xbc: {  	s0 =	sor.u32 s1, s0  }
0xbd: {  	s0 =	sadd.s32 $0x8F2B, s0  }
0xbe: {  	[sflag:s0] =	ssyncadd.remote.s32 $0x1  }
0xbf: {  	_ =	sfence.sel $0xFFFF  }
0xc0: {  	[dreg:$0x0] =	wrdreg $0xFFFFFFFF;
	(pc) =	sbr.abs _section_cstart, $3  }
0xc1: {  	[dreg:$0x1] =	wrdreg $0xFFFFFFFF  }
0xc2: {  	_ =	task.clear_ibuf [dreg:s7], $0x2FFFF;
	_ =	strace $0x9FFFFFFF  }
0xc3: {  	(tm) =	ssettm $0x7FFFFFFF  }
tec
execute0_lowered:
.L_overlay_start_1:
0x0: {  	(tag) =	ssettag $0x1  }
0x1: {  	s6 =	rddreg [dreg:$0x0]  }
0x2: {  	s0 =	srdreg.scid;
	s1 =	rddreg [dreg:$0x1]  }
0x3: {  	s7 =	stileid.u32;
	s2 =	rddreg [dreg:$0x2];
	s3 =	simm.s32 $0x0  }
0x4: {  	s10 =	simm.s32 $0x4;
	s5 =	sand.u32 $0x1, s0;
	s30 =	sshll.u32 s7, $0x1  }
0x5: {  	s11 =	simm.s32 $0x2710;
	s12 =	simm.s32 $0x1;
	s4 =	sor.u32 s5, s30  }
0x6: {  	s13 =	simm.s32 $0x3;
	s0 =	rddreg [dreg:$0x3];
	s4 =	smul.u32 $0x2710, s4  }
0x7: {  	s14 =	simm.s32 $0x2;
	s15 =	simm.s32 $0x0;
	[smem:$0x7FF] =	sst s3  }
0x8: {  	p0 =	sne.s32 s7, $0x0;
	s9 =	ssub.s32 $0x2, s5;
	s8 =	sshrl.u32 s4, $0x3  }
0x9: {  	_ =	strace $0x80000047;
	s31 =	sshrl.u32 s9, $0x1;
	s8 =	sadd.s32 s8, s6  }
0xa: {  	v0 =	vlaneseq.u32;
	s5 =	sadd.s32 $0x14400, s6;
	s9 =	ssub.s32 s9, s31;
	s6 =	sadd.s32 $0xA00, s8  }
0xb: {  	vm0 =	vmmov $0xffff;
	v1 =	vor.u32 $0x2710, v0;
	s7 =	sadd.s32 $0xA640, s8;
	s8 =	smax.u32 s9, $0x1;
	s9 =	sshrl.u32 @!p0 s2, $0x3  }
.LBB2_1:
0xc: {  	s16 =	simm.s32 @!p0 $0x1C04  }
0xd: {  	[spmem:s9], [sflag:s16] =	dma.local @!p0 [hbm:s5], $0x120  }
0xe: {  	s16 =	simm.s32 @!p0 $0x4  }
0xf: {  	_ =	swait.ge @!p0 [sflag:s16], $0x120  }
0x10: {  	[sflag:s16] =	ssyncset.done @!p0 $0x0  }
0x11: {  	[sflag:s16] =	ssyncadd.s32 @!p0 $0xFFFFFEE0  }
0x12: {  	[tilespmem:s3], [sflag:$0x4] =	stream.linear.gather [hbm4b:s6+s3], $0x2710, $0x38;
	[tilespmem:$0x1DF10] =	vst v63  }
0x13: {  	_ =	swait.ge [sflag:s10], $0x2710  }
0x14: {  	[sflag:s10] =	ssyncset.done $0x0  }
0x15: {  	[sflag:s10] =	ssyncadd.s32 $0xFFFFD8F0  }
0x16: {  	[tilespmem:s11], [sflag:$0x4] =	stream.linear.gather [hbm4b:s7+s3], $0x2710, $0x38;
	[tilespmem:$0x1DF10] =	vst v63  }
0x17: {  	_ =	swait.ge [sflag:s10], $0x2710  }
0x18: {  	[sflag:s10] =	ssyncset.done $0x0  }
0x19: {  	p1 =	por $0x0, $0x0;
	[sflag:s10] =	ssyncadd.s32 $0xFFFFD8F0  }
0x1a: {  	s17 =	simm.s32 $0x0;
	s16 =	simm.s32 $0x0;
	[bflag:$0x0] =	sbarrier.arrive $0xFFFF  }
.LBB2_2:
0x1b: {  	s18 =	sand.u32 $0x1, s17;
	p3 =	slt.u32 s17, $0x2  }
0x1c: {  	p2 =	sne.s32 @!p3 s18, $0x0  }
0x1d: {  	p4 =	por p2, p3  }
0x1e: {  	s19 =	simm.s32 @!p4 $0x2  }
0x1f: {  	s20 =	sadd.s32 $0x0, s16;
	p2 =	seq.s32 s18, $0x1;
	_ =	swait.ge @!p4 [sflag:s19], $0xC800  }
0x20: {  	v2 =	vor.u32 s20, v0;
	p3 =	por !p2, p3;
	[sflag:s19] =	ssyncset.done @!p4 $0x0  }
0x21: {  	[sflag:s19] =	ssyncadd.s32 @!p4 $0xFFFF3800;
	s19 =	simm.s32 @!p3 $0x3  }
0x22: {  	v3 =	vadd.s32 s20, v1;
	_ =	swait.ge @!p3 [sflag:s19], $0xC800  }
0x23: {  	[sflag:s19] =	ssyncset.done @!p3 $0x0  }
0x24: {  	[sflag:s19] =	ssyncadd.s32 @!p3 $0xFFFF3800  }
0x25: {  	v2 =	vld.idx.msk [tilespmem:v2+s3+$0x0], $0xffff;
	_ =	sdelay $0x1  }
0x26: {  	v3 =	vld.idx.msk [tilespmem:v3+s3+$0x0], $0xffff;
	_ =	sdelay $0x2  }
0x27: {  	v2 =	vmul.u32 $0x3, v2  }
0x28: {  	s19 =	simm.s32 $0x1  }
0x29: {  	s31 =	sadd.s32 $0x10, s16;
	s19 =	simm.s32 @!p1 $0x0;
	v2 =	vadd.s32 v3, v2  }
0x2a: {  	s19 =	smul.u32 $0x32000, s19;
	v3 =	vor.u32 s31, v0;
	_ =	sdelay $0x1  }
0x2b: {  	v4 =	vadd.s32 s31, v1;
	s19 =	sshrl.u32 s19, $0x2  }
0x2c: {  	s20 =	sadd.s32 $0x4E80, s19  }
0x2d: {  	[tilespmem:s20], [sflag:$0x1] =	stream.indirect_vreg.gather [spmem:s2], $0x80, v2, vm0, $0xb8;
	[tilespmem:$0x1DF10] =	vst v63  }
0x2e: {  	v2 =	vld.idx.msk [tilespmem:v3+s3+$0x0], $0xffff;
	_ =	sdelay $0x1  }
0x2f: {  	v3 =	vld.idx.msk [tilespmem:v4+s3+$0x0], $0xffff;
	_ =	sdelay $0x2  }
0x30: {  	v2 =	vmul.u32 $0x3, v2;
	_ =	sdelay $0x1  }
0x31: {  	s22 =	sadd.s32 $0x20, s16;
	s21 =	simm.s32 $0x30;
	s19 =	smul.u32 $0x190, s17;
	v2 =	vadd.s32 v3, v2  }
.LBB2_3:
0x32: {  	p3 =	sne.s32 s21, $0x180;
	v3 =	vor.u32 s22, v0;
	_ =	sdelay $0x1  }
0x33: {  	v4 =	vadd.s32 s22, v1  }
0x34: {  	s20 =	sadd.s32 $0x800, s20  }
0x35: {  	[tilespmem:s20], [sflag:$0x1] =	stream.indirect_vreg.gather [spmem:s2], $0x80, v2, vm0, $0xb8;
	[tilespmem:$0x1DF10] =	vst v63  }
0x36: {  	v2 =	vld.idx.msk [tilespmem:v3+s3+$0x0], $0xffff;
	_ =	sdelay $0x1  }
0x37: {  	v3 =	vld.idx.msk [tilespmem:v4+s3+$0x0], $0xffff;
	_ =	sdelay $0x1  }
.Ltmp0:
0x38: {  	(pc) =	sbr.rel @p3 .LBB2_3-.Ltmp0, $3  }
0x39: {  	_ = 	snop  }
0x3a: {  	v2 =	vmul.u32 $0x3, v2;
	_ =	sdelay $0x1  }
0x3b: {  	s22 =	sadd.s32 s21, s16;
	s21 =	sadd.s32 $0x10, s21;
	v2 =	vadd.s32 v3, v2  }
0x3c: {  	v3 =	vor.u32 s22, v0;
	_ =	sdelay $0x1  }
0x3d: {  	v4 =	vadd.s32 s22, v1  }
0x3e: {  	s20 =	sadd.s32 $0x800, s20  }
0x3f: {  	[tilespmem:s20], [sflag:$0x1] =	stream.indirect_vreg.gather [spmem:s2], $0x80, v2, vm0, $0xb8;
	[tilespmem:$0x1DF10] =	vst v63  }
0x40: {  	v2 =	vld.idx.msk [tilespmem:v3+s3+$0x0], $0xffff;
	_ =	sdelay $0x1  }
0x41: {  	v3 =	vld.idx.msk [tilespmem:v4+s3+$0x0], $0xffff;
	_ =	sdelay $0x2  }
0x42: {  	v2 =	vmul.u32 $0x3, v2;
	_ =	sdelay $0x1  }
0x43: {  	v2 =	vadd.s32 v3, v2;
	_ =	sdelay $0x3  }
0x44: {  	s20 =	sadd.s32 $0x800, s20  }
0x45: {  	[tilespmem:s20], [sflag:$0x1] =	stream.indirect_vreg.gather [spmem:s2], $0x80, v2, vm0, $0xb8;
	[tilespmem:$0x1DF10] =	vst v63  }
0x46: {  	_ =	swait.ge [sflag:s12], $0x800  }
0x47: {  	[sflag:s12] =	ssyncset.done $0x0  }
0x48: {  	[sflag:s12] =	ssyncadd.s32 $0xFFFFF800  }
0x49: {  	_ =	swait.ge [sflag:s12], $0x800  }
0x4a: {  	[sflag:s12] =	ssyncset.done $0x0  }
0x4b: {  	[sflag:s12] =	ssyncadd.s32 $0xFFFFF800  }
0x4c: {  	_ =	swait.ge [sflag:s12], $0x800  }
0x4d: {  	[sflag:s12] =	ssyncset.done $0x0  }
0x4e: {  	[sflag:s12] =	ssyncadd.s32 $0xFFFFF800  }
0x4f: {  	_ =	swait.ge [sflag:s12], $0x800  }
0x50: {  	[sflag:s12] =	ssyncset.done $0x0  }
0x51: {  	[sflag:s12] =	ssyncadd.s32 $0xFFFFF800  }
0x52: {  	_ =	swait.ge [sflag:s12], $0x800  }
0x53: {  	[sflag:s12] =	ssyncset.done $0x0  }
0x54: {  	[sflag:s12] =	ssyncadd.s32 $0xFFFFF800  }
0x55: {  	_ =	swait.ge [sflag:s12], $0x800  }
0x56: {  	[sflag:s12] =	ssyncset.done $0x0  }
0x57: {  	[sflag:s12] =	ssyncadd.s32 $0xFFFFF800  }
0x58: {  	_ =	swait.ge [sflag:s12], $0x800  }
0x59: {  	[sflag:s12] =	ssyncset.done $0x0  }
0x5a: {  	[sflag:s12] =	ssyncadd.s32 $0xFFFFF800  }
0x5b: {  	_ =	swait.ge [sflag:s12], $0x800  }
0x5c: {  	[sflag:s12] =	ssyncset.done $0x0  }
0x5d: {  	[sflag:s12] =	ssyncadd.s32 $0xFFFFF800  }
0x5e: {  	_ =	swait.ge [sflag:s12], $0x800  }
0x5f: {  	[sflag:s12] =	ssyncset.done $0x0  }
0x60: {  	[sflag:s12] =	ssyncadd.s32 $0xFFFFF800  }
0x61: {  	_ =	swait.ge [sflag:s12], $0x800  }
0x62: {  	[sflag:s12] =	ssyncset.done $0x0  }
0x63: {  	[sflag:s12] =	ssyncadd.s32 $0xFFFFF800  }
0x64: {  	_ =	swait.ge [sflag:s12], $0x800  }
0x65: {  	[sflag:s12] =	ssyncset.done $0x0  }
0x66: {  	[sflag:s12] =	ssyncadd.s32 $0xFFFFF800  }
0x67: {  	_ =	swait.ge [sflag:s12], $0x800  }
0x68: {  	[sflag:s12] =	ssyncset.done $0x0  }
0x69: {  	[sflag:s12] =	ssyncadd.s32 $0xFFFFF800  }
0x6a: {  	_ =	swait.ge [sflag:s12], $0x800  }
0x6b: {  	[sflag:s12] =	ssyncset.done $0x0  }
0x6c: {  	[sflag:s12] =	ssyncadd.s32 $0xFFFFF800  }
0x6d: {  	_ =	swait.ge [sflag:s12], $0x800  }
0x6e: {  	[sflag:s12] =	ssyncset.done $0x0  }
0x6f: {  	[sflag:s12] =	ssyncadd.s32 $0xFFFFF800  }
0x70: {  	_ =	swait.ge [sflag:s12], $0x800  }
0x71: {  	[sflag:s12] =	ssyncset.done $0x0  }
0x72: {  	[sflag:s12] =	ssyncadd.s32 $0xFFFFF800  }
0x73: {  	_ =	swait.ge [sflag:s12], $0x800  }
0x74: {  	[sflag:s12] =	ssyncset.done $0x0  }
0x75: {  	[sflag:s12] =	ssyncadd.s32 $0xFFFFF800  }
0x76: {  	_ =	swait.ge [sflag:s12], $0x800  }
0x77: {  	[sflag:s12] =	ssyncset.done $0x0  }
0x78: {  	[sflag:s12] =	ssyncadd.s32 $0xFFFFF800  }
0x79: {  	_ =	swait.ge [sflag:s12], $0x800  }
0x7a: {  	[sflag:s12] =	ssyncset.done $0x0  }
0x7b: {  	[sflag:s12] =	ssyncadd.s32 $0xFFFFF800  }
0x7c: {  	_ =	swait.ge [sflag:s12], $0x800  }
0x7d: {  	[sflag:s12] =	ssyncset.done $0x0  }
0x7e: {  	[sflag:s12] =	ssyncadd.s32 $0xFFFFF800  }
0x7f: {  	_ =	swait.ge [sflag:s12], $0x800  }
0x80: {  	[sflag:s12] =	ssyncset.done $0x0  }
0x81: {  	[sflag:s12] =	ssyncadd.s32 $0xFFFFF800  }
0x82: {  	_ =	swait.ge [sflag:s12], $0x800  }
0x83: {  	[sflag:s12] =	ssyncset.done $0x0  }
0x84: {  	[sflag:s12] =	ssyncadd.s32 $0xFFFFF800  }
0x85: {  	_ =	swait.ge [sflag:s12], $0x800  }
0x86: {  	[sflag:s12] =	ssyncset.done $0x0  }
0x87: {  	[sflag:s12] =	ssyncadd.s32 $0xFFFFF800  }
0x88: {  	_ =	swait.ge [sflag:s12], $0x800  }
0x89: {  	[sflag:s12] =	ssyncset.done $0x0  }
0x8a: {  	[sflag:s12] =	ssyncadd.s32 $0xFFFFF800  }
0x8b: {  	_ =	swait.ge [sflag:s12], $0x800  }
0x8c: {  	[sflag:s12] =	ssyncset.done $0x0  }
0x8d: {  	p3 =	sne.s32 s18, $0x0;
	[sflag:s12] =	ssyncadd.s32 $0xFFFFF800  }
0x8e: {  	s18 =	sadd.s32 @!p3 s4, s19;
	_ =	swait.ge [sflag:s12], $0x800  }
0x8f: {  	s21 =	simm.s32 @!p3 $0x4E80;
	s18 =	sshll.u32 @!p3 s18, $0x4;
	[sflag:s12] =	ssyncset.done $0x0  }
0x90: {  	s18 =	sadd.s32 @!p3 s1, s18;
	s20 =	simm.s32 @!p3 $0x0;
	[sflag:s12] =	ssyncadd.s32 $0xFFFFF800  }
0x91: {  	[hbm4b:s18+s20] =	stream.linear.scatter @!p3 [tilespmem:s21], [sflag:$0x2], $0xC800, $0x38;
	[tilespmem:$0x1DF10] =	vst v63  }
0x92: {  	s18 =	sadd.s32 @p2 s4, s19  }
0x93: {  	s17 =	sadd.s32 $0x1, s17;
	s18 =	sshll.u32 @p2 s18, $0x4  }
0x94: {  	s19 =	simm.s32 @p2 $0x0;
	s20 =	simm.s32 @p2 $0x11680;
	s18 =	sadd.s32 @p2 s1, s18  }
0x95: {  	[hbm4b:s18+s19] =	stream.linear.scatter @p2 [tilespmem:s20], [sflag:$0x3], $0xC800, $0x38;
	[tilespmem:$0x1DF10] =	vst v63  }
0x96: {  	p2 =	sne.s32 s17, $0x19  }
.Ltmp1:
0x97: {  	_ = 	snop;
	(pc) =	sbr.rel @p2 .LBB2_2-.Ltmp1, $2  }
0x98: {  	_ =	sdelay $0x2  }
0x99: {  	s16 =	sadd.s32 $0x190, s16;
	p1 =	por !p1, !p1  }
0x9a: {  	s15 =	sadd.s32 $0x1, s15  }
0x9b: {  	_ =	swait.ge [sflag:s13], $0xC800;
	p1 =	sne.s32 s15, s8  }
.Ltmp2:
0x9c: {  	[sflag:s13] =	ssyncset.done $0x0;
	(pc) =	sbr.rel @p1 .LBB2_1-.Ltmp2, $4  }
0x9d: {  	[sflag:s13] =	ssyncadd.s32 $0xFFFF3800  }
0x9e: {  	_ =	swait.ge [sflag:s14], $0xC800  }
0x9f: {  	[sflag:s14] =	ssyncset.done $0x0  }
0xa0: {  	[sflag:s14] =	ssyncadd.s32 $0xFFFF3800  }
0xa1: {  	_ =	sfence.sel $0x180000  }
0xa2: {  	[bflag:$0x0] =	sbarrier.arrive $0xFFFF  }
0xa3: {  	_ =	strace $0x90000047  }
0xa4: {  	s0 =	sadd.s32 @!p0 $0x100000, s0;
	[bflag:$0x2] =	sbarrier.arrive $0xFFFF  }
0xa5: {  	[sflag:s0] =	ssyncadd.tile.s32 @!p0 $0x1;
	_ =	shalt  }
.Lfunc_end2:
_tile_overlayer_lowered:
.L_overlay_start_2:
0xa6: {  	(tag) =	ssettag $0x2  }
0xa7: {  	s0 =	rddreg [dreg:$0x0];
	s2 =	stileid.u32  }
0xa8: {  	s1 =	rddreg [dreg:$0x1];
	p0 =	sne.s32 s2, $0x0  }
0xa9: {  	s3 =	rddreg [dreg:$0x2];
	[bflag:$0x3] =	sbarrier.arrive $0xFFFF;
	s2 =	simm.s32 @!p0 $0x1C04  }
0xaa: {  	[timem:s3], [sflag:s2] =	dma.local @!p0 [hbm:s0], s1  }
0xab: {  	s0 =	simm.s32 @!p0 $0x4  }
0xac: {  	_ =	swait.ge @!p0 [sflag:s0], s1  }
0xad: {  	s1 =	ssub.s32 @!p0 $0x0, s1;
	[sflag:s0] =	ssyncset.done @!p0 $0x0  }
0xae: {  	[sflag:s0] =	ssyncadd.s32 @!p0 s1  }
0xaf: {  	[bflag:$0x3] =	sbarrier.arrive $0xFFFF  }
0xb0: {  	_ =	shalt  }

</sc_bundles>
